<compile_context>
chip_gen: v7x
topology: tpu7x:2x2x1
jax: 0.10.2.dev20260603
libtpu: 0.0.44.dev20260713+nightly
codegen_flags: <defaults>
</compile_context>

<pallas_src>
import functools

import jax
import jax.numpy as jnp
from jax import lax
from jax.experimental import pallas as pl
from jax.experimental.pallas import tpu as pltpu
from jax.experimental.pallas import tpu_sc as plsc

BSZ, TSZ, FSZ = 8, 256, 512
NUM_GROUPS, NUM_VARS, VAR_DIM = 2, 320, 128
NUM_TOTAL = NUM_GROUPS * NUM_VARS
TT = 128
NSTEPS = TSZ // TT
ROWS = BSZ * TT

_B_TOTAL = BSZ * TSZ * NUM_GROUPS


def _vq_tc_kernel(x_ref, w_ref, b_ref, idx_ref, cb_ref, cpp_ref, ppp_ref,
                  acc_ref):
    i = pl.program_id(0)

    @pl.when(i == 0)
    def _init():
        acc_ref[...] = jnp.zeros_like(acc_ref)
        cpp_ref[...] = jnp.zeros_like(cpp_ref)
        ppp_ref[...] = jnp.zeros_like(ppp_ref)

    xb = x_ref[...].reshape(ROWS, FSZ)
    logits = jax.lax.dot_general(
        xb, w_ref[...], (((1,), (1,)), ((), ())),
        preferred_element_type=jnp.float32)
    logits = logits + b_ref[...]

    col = jax.lax.broadcasted_iota(jnp.int32, (ROWS, NUM_TOTAL), 1)
    g0 = col < NUM_VARS
    neg = jnp.float32(-jnp.inf)

    l0 = jnp.where(g0, logits, neg)
    l1 = jnp.where(g0, neg, logits)
    m0 = jnp.max(l0, axis=1, keepdims=True)
    m1 = jnp.max(l1, axis=1, keepdims=True)
    a0 = jnp.argmax(l0, axis=1).reshape(ROWS, 1)
    a1 = jnp.argmax(l1, axis=1).reshape(ROWS, 1)
    oh0 = (col == a0).astype(jnp.float32)
    oh1 = (col == a1).astype(jnp.float32)
    oh = oh0 + oh1

    cb_ref[...] = oh.reshape(BSZ, TT, NUM_TOTAL)
    idx_ref[...] = jnp.concatenate([a0, a1], axis=1).reshape(BSZ, TT, 2)

    counts = oh.reshape(BSZ, TT, NUM_TOTAL).sum(axis=0) * (1.0 / BSZ)
    colt = jax.lax.broadcasted_iota(jnp.int32, (TT, NUM_TOTAL), 1)
    ent = counts * jnp.log(counts + 1e-07)
    s0 = jnp.sum(jnp.where(colt < NUM_VARS, ent, 0.0), axis=1, keepdims=True)
    s1 = jnp.sum(jnp.where(colt < NUM_VARS, 0.0, ent), axis=1, keepdims=True)
    cpp_ref[...] += jnp.sum(jnp.exp(-s0) + jnp.exp(-s1)).reshape(1, 1)

    m_sel = jnp.where(g0, m0, m1)
    e = jnp.exp(logits - m_sel)
    gcol = jax.lax.broadcasted_iota(jnp.int32, (NUM_TOTAL, 2), 0)
    gidx = jax.lax.broadcasted_iota(jnp.int32, (NUM_TOTAL, 2), 1)
    gmask = ((gcol < NUM_VARS) == (gidx == 0)).astype(jnp.float32)
    se2 = jax.lax.dot_general(e, gmask, (((1,), (0,)), ((), ())),
                              preferred_element_type=jnp.float32)
    w2 = 1.0 / se2
    accp = jax.lax.dot_general(e, w2, (((0,), (0,)), ((), ())),
                               preferred_element_type=jnp.float32)
    acc_ref[...] += accp

    @pl.when(i == NSTEPS - 1)
    def _finalize():
        pavg = acc_ref[...] * (1.0 / (BSZ * TSZ))
        entp = pavg * jnp.log(pavg + 1e-07) * gmask
        sp = jnp.sum(entp, axis=0, keepdims=True)
        ppp_ref[...] = jnp.sum(jnp.exp(-sp)).reshape(1, 1)


@functools.lru_cache(maxsize=1)
def _make_sc_gather():
    info = plsc.get_sparse_core_info()
    nc, ns = info.num_cores, info.num_subcores
    b_per_w = _B_TOTAL // (nc * ns)

    def _sc_gather_kernel(table_hbm, idx_hbm, out_hbm, idx_v, rows_v, sem):
        wid = lax.axis_index("s") * nc + lax.axis_index("c")
        base = wid * b_per_w
        pltpu.sync_copy(idx_hbm.at[pl.ds(base, b_per_w)], idx_v)
        pltpu.async_copy(table_hbm.at[idx_v], rows_v, sem).wait()
        pltpu.sync_copy(rows_v, out_hbm.at[pl.ds(base, b_per_w)])

    return pl.kernel(
        _sc_gather_kernel,
        mesh=plsc.VectorSubcoreMesh(core_axis_name="c", subcore_axis_name="s"),
        out_type=jax.ShapeDtypeStruct((_B_TOTAL, VAR_DIM), jnp.float32),
        scratch_types=[
            pltpu.VMEM((b_per_w,), jnp.int32),
            pltpu.VMEM((b_per_w, VAR_DIM), jnp.float32),
            pltpu.SemaphoreType.DMA,
        ],
    )


@jax.jit
def _run(x, W, b, vars_):
    b2 = b.reshape(1, NUM_TOTAL)

    idx, cb, cpp, ppp = pl.pallas_call(
        _vq_tc_kernel,
        grid=(NSTEPS,),
        in_specs=[
            pl.BlockSpec((BSZ, TT, FSZ), lambda i: (0, i, 0)),
            pl.BlockSpec((NUM_TOTAL, FSZ), lambda i: (0, 0)),
            pl.BlockSpec((1, NUM_TOTAL), lambda i: (0, 0)),
        ],
        out_specs=[
            pl.BlockSpec((BSZ, TT, 2), lambda i: (0, i, 0)),
            pl.BlockSpec((BSZ, TT, NUM_TOTAL), lambda i: (0, i, 0)),
            pl.BlockSpec((1, 1), lambda i: (0, 0)),
            pl.BlockSpec((1, 1), lambda i: (0, 0)),
        ],
        out_shape=[
            jax.ShapeDtypeStruct((BSZ, TSZ, 2), jnp.int32),
            jax.ShapeDtypeStruct((BSZ, TSZ, NUM_TOTAL), jnp.float32),
            jax.ShapeDtypeStruct((1, 1), jnp.float32),
            jax.ShapeDtypeStruct((1, 1), jnp.float32),
        ],
        scratch_shapes=[pltpu.VMEM((NUM_TOTAL, 2), jnp.float32)],
    )(x, W, b2)

    qrows = _make_sc_gather()(vars_.reshape(NUM_TOTAL, VAR_DIM),
                              idx.reshape(_B_TOTAL))
    q = qrows.reshape(BSZ, TSZ, NUM_GROUPS * VAR_DIM)
    return q, cb.reshape(BSZ * TSZ, NUM_TOTAL), cpp[0, 0], ppp[0, 0]


def kernel(x, W, b, vars_):
    return _run(x, W, b, vars_)

# --- scband reference (transcript-rebuilt; emitter-appended) ---
"""Pipeline reference for scband-gumbel-vector-quantizer-78168404787478 (READ-ONLY COPY).

The authoritative reference and input builder live on the scoring server;
editing this copy changes nothing except your own understanding.
"""

import jax, jax.numpy as jnp
import numpy as np

BSZ, TSZ, FSZ = 8, 256, 512
NUM_GROUPS, NUM_VARS, VAR_DIM = 2, 320, 128
NUM_TOTAL = NUM_GROUPS * NUM_VARS  # 640


def setup_inputs(seed: int = 0) -> dict:
    key = jax.random.key(seed)
    k1, k2, k3 = jax.random.split(key, 3)
    x = jax.random.normal(k1, (BSZ, TSZ, FSZ), dtype=jnp.float32)
    # NormalLinear: weight ~ N(0,1), bias zeros. torch.nn.Linear weight is [out, in].
    W = jax.random.normal(k2, (NUM_TOTAL, FSZ), dtype=jnp.float32)
    b = jnp.zeros((NUM_TOTAL,), dtype=jnp.float32)
    # vars: uniform init, shape [1, num_groups*num_vars, var_dim]
    vars_ = jax.random.uniform(k3, (1, NUM_TOTAL, VAR_DIM), dtype=jnp.float32)
    return {"x": x, "W": W, "b": b, "vars_": vars_}


def reference(x, W, b, vars_):
    # Eval-mode forward of GumbelVectorQuantizer (deterministic hard one-hot path).
    bsz, tsz, fsz = x.shape
    logits = x @ W.T + b                                   # weight_proj
    logits = logits.reshape(bsz, tsz, NUM_GROUPS, NUM_VARS)
    k = jnp.argmax(logits, axis=-1)                        # [B, T, G]
    hard_x = jax.nn.one_hot(k, NUM_VARS, dtype=jnp.float32)  # [B, T, G, V]
    hard_probs = hard_x.mean(axis=0)                       # mean over batch dim only (faithful)
    code_perplexity = jnp.exp(-jnp.sum(hard_probs * jnp.log(hard_probs + 1e-07), axis=-1)).sum()
    avg_probs = jax.nn.softmax(
        logits.reshape(bsz * tsz, NUM_GROUPS, NUM_VARS).astype(jnp.float32), axis=-1
    ).mean(axis=0)
    prob_perplexity = jnp.exp(-jnp.sum(avg_probs * jnp.log(avg_probs + 1e-07), axis=-1)).sum()
    q = hard_x.reshape(bsz * tsz, -1)                      # [B*T, G*V]
    cb = q
    qv = q[:, :, None] * vars_                             # [B*T, G*V, var_dim] broadcast
    qv = qv.reshape(bsz * tsz, NUM_GROUPS, NUM_VARS, VAR_DIM).sum(axis=-2)
    quantized = qv.reshape(bsz, tsz, -1)                   # [B, T, quantized_dim]
    return quantized, cb, code_perplexity, prob_perplexity

if __name__ == "__main__":
    import jax
    _d = setup_inputs()
    print(jax.jit(kernel)(*tuple(_d.values())))

</pallas_src>

<mosaic_0001>
#map = affine_map<(d0, d1) -> (0, 0)>
#map1 = affine_map<(d0, d1) -> (0)>
module attributes {stable_mosaic.version = 14 : i64} {
  func.func @_sc_gather_kernel(%arg0: i32, %arg1: i32, %arg2: memref<640x128xf32, #tpu.memory_space<hbm>>, %arg3: memref<4096xi32, #tpu.memory_space<hbm>>, %arg4: memref<4096x128xf32, #tpu.memory_space<hbm>>, %arg5: memref<128xi32, #tpu.memory_space<vmem>>, %arg6: memref<128x128xf32, #tpu.memory_space<vmem>>, %arg7: memref<!tpu.dma_semaphore, #tpu.memory_space<semaphore_mem>>) attributes {dimension_semantics = [#tpu.dimension_semantics<core_parallel>, #tpu.dimension_semantics<subcore_parallel>], iteration_bounds = array<i64: 2, 16>, scalar_prefetch = 0 : i64, scratch_operands = 3 : i64, tpu.core_type = #tpu.core_type<sc_vector_subcore>, window_params = [{transform_indices = #map}, {transform_indices = #map1}, {transform_indices = #map}]} {
    %mul3A = arith.constant 2 : i32
    %mul3A_0 = arith.muli %arg1, %mul3A : i32
    %add3A = arith.addi %mul3A_0, %arg0 : i32
    %mul3A_1 = arith.constant 128 : i32
    %mul3A_2 = arith.muli %add3A, %mul3A_1 : i32
    "tpu.region"() ({
      %run_scoped3A = tpu.sem_alloc : memref<!tpu.dma_semaphore, #tpu.memory_space<semaphore_mem>>
      %dma_start3A_7 = tpu.memref_slice %arg3[%mul3A_2] : memref<4096xi32, #tpu.memory_space<hbm>> -> memref<128xi32, #tpu.memory_space<hbm>>
      %dma_start3A_8 = tpu.memref_slice %arg3[%mul3A_2] : memref<4096xi32, #tpu.memory_space<hbm>> -> memref<128xi32, #tpu.memory_space<hbm>>
      tpu.enqueue_dma source(%dma_start3A_8 : memref<128xi32, #tpu.memory_space<hbm>>) target(%arg5 : memref<128xi32, #tpu.memory_space<vmem>>) target_semaphore(%run_scoped3A : memref<!tpu.dma_semaphore, #tpu.memory_space<semaphore_mem>>)
      %dma_wait3A_9 = tpu.memref_slice %arg3[%mul3A_2] : memref<4096xi32, #tpu.memory_space<hbm>> -> memref<128xi32, #tpu.memory_space<hbm>>
      %dma_wait3A_10 = tpu.memref_slice %arg3[%mul3A_2] : memref<4096xi32, #tpu.memory_space<hbm>> -> memref<128xi32, #tpu.memory_space<hbm>>
      tpu.wait_dma2 semaphore(%run_scoped3A : memref<!tpu.dma_semaphore, #tpu.memory_space<semaphore_mem>>) src(%dma_wait3A_10 : memref<128xi32, #tpu.memory_space<hbm>>) dst(%arg5 : memref<128xi32, #tpu.memory_space<vmem>>)
      tpu.yield
    }) : () -> ()
    %dma_start3A = arith.constant 0 : i32
    %dma_start3A_3 = arith.constant 0 : i32
    %dma_start3A_4 = tpu.memref_slice %arg2[%dma_start3A, %dma_start3A_3] : memref<640x128xf32, #tpu.memory_space<hbm>> -> memref<640x128xf32, #tpu.memory_space<hbm>>
    tpu.enqueue_indirect_dma source(%dma_start3A_4 : memref<640x128xf32, #tpu.memory_space<hbm>>) target(%arg6 : memref<128x128xf32, #tpu.memory_space<vmem>>) offsets(%arg5 : memref<128xi32, #tpu.memory_space<vmem>>) semaphore(%arg7 : memref<!tpu.dma_semaphore, #tpu.memory_space<semaphore_mem>>)
    %dma_wait3A = arith.constant 0 : i32
    %dma_wait3A_5 = arith.constant 0 : i32
    %dma_wait3A_6 = tpu.memref_slice %arg2[%dma_wait3A, %dma_wait3A_5] : memref<640x128xf32, #tpu.memory_space<hbm>> -> memref<640x128xf32, #tpu.memory_space<hbm>>
    tpu.wait_indirect_dma semaphore(%arg7 : memref<!tpu.dma_semaphore, #tpu.memory_space<semaphore_mem>>) src(%dma_wait3A_6 : memref<640x128xf32, #tpu.memory_space<hbm>>) dst(%arg6 : memref<128x128xf32, #tpu.memory_space<vmem>>)
    "tpu.region"() ({
      %run_scoped3A = tpu.sem_alloc : memref<!tpu.dma_semaphore, #tpu.memory_space<semaphore_mem>>
      %dma_start3A_7 = arith.constant 0 : i32
      %dma_start3A_8 = tpu.memref_slice %arg4[%mul3A_2, %dma_start3A_7] : memref<4096x128xf32, #tpu.memory_space<hbm>> -> memref<128x128xf32, #tpu.memory_space<hbm>>
      %dma_start3A_9 = arith.constant 0 : i32
      %dma_start3A_10 = tpu.memref_slice %arg4[%mul3A_2, %dma_start3A_9] : memref<4096x128xf32, #tpu.memory_space<hbm>> -> memref<128x128xf32, #tpu.memory_space<hbm>>
      tpu.enqueue_dma source(%arg6 : memref<128x128xf32, #tpu.memory_space<vmem>>) target(%dma_start3A_10 : memref<128x128xf32, #tpu.memory_space<hbm>>) target_semaphore(%run_scoped3A : memref<!tpu.dma_semaphore, #tpu.memory_space<semaphore_mem>>)
      %dma_wait3A_11 = arith.constant 0 : i32
      %dma_wait3A_12 = tpu.memref_slice %arg4[%mul3A_2, %dma_wait3A_11] : memref<4096x128xf32, #tpu.memory_space<hbm>> -> memref<128x128xf32, #tpu.memory_space<hbm>>
      %dma_wait3A_13 = arith.constant 0 : i32
      %dma_wait3A_14 = tpu.memref_slice %arg4[%mul3A_2, %dma_wait3A_13] : memref<4096x128xf32, #tpu.memory_space<hbm>> -> memref<128x128xf32, #tpu.memory_space<hbm>>
      tpu.wait_dma2 semaphore(%run_scoped3A : memref<!tpu.dma_semaphore, #tpu.memory_space<semaphore_mem>>) src(%arg6 : memref<128x128xf32, #tpu.memory_space<vmem>>) dst(%dma_wait3A_14 : memref<128x128xf32, #tpu.memory_space<hbm>>)
      tpu.yield
    }) : () -> ()
    return
  }
}

module attributes {stable_mosaic.version = 14 : i64} {
  func.func @_vq_tc_kernel(%arg0: i32, %arg1: memref<8x128x512xf32, #tpu.memory_space<vmem>>, %arg2: memref<640x512xf32, #tpu.memory_space<vmem>>, %arg3: memref<1x640xf32, #tpu.memory_space<vmem>>, %arg4: memref<8x128x2xi32, #tpu.memory_space<vmem>>, %arg5: memref<8x128x640xf32, #tpu.memory_space<vmem>>, %arg6: memref<1x1xf32, #tpu.memory_space<vmem>>, %arg7: memref<1x1xf32, #tpu.memory_space<vmem>>, %arg8: memref<640x2xf32, #tpu.memory_space<vmem>>) attributes {dimension_semantics = [#tpu.dimension_semantics<arbitrary>], iteration_bounds = array<i64: 2>, scalar_prefetch = 0 : i64, scratch_operands = 1 : i64, tpu.core_type = #tpu.core_type<tc>, window_params = [{transform_indices = @transform_0, window_bounds = array<i64: 8, 128, 512>}, {pipeline_mode = #tpu.pipeline_mode<synchronous>, transform_indices = @transform_1, window_bounds = array<i64: 640, 512>}, {pipeline_mode = #tpu.pipeline_mode<synchronous>, transform_indices = @transform_2, window_bounds = array<i64: 1, 640>}, {transform_indices = @transform_3, window_bounds = array<i64: 8, 128, 2>}, {transform_indices = @transform_4, window_bounds = array<i64: 8, 128, 640>}, {pipeline_mode = #tpu.pipeline_mode<synchronous>, transform_indices = @transform_5, window_bounds = array<i64: 1, 1>}, {pipeline_mode = #tpu.pipeline_mode<synchronous>, transform_indices = @transform_6, window_bounds = array<i64: 1, 1>}]} {
    %eq3A = arith.constant 0 : i32
    %eq3A_0 = arith.cmpi eq, %arg0, %eq3A : i32
    %convert_element_type3A = arith.extui %eq3A_0 : i1 to i32
    %cond3A = arith.constant 0 : i32
    %cond3A_1 = arith.cmpi ne, %convert_element_type3A, %cond3A : i32
    scf.if %cond3A_1 {
      %broadcast_in_dim3A_128 = arith.constant 0.000000e+00 : f32
      %broadcast_in_dim3A_129 = vector.broadcast %broadcast_in_dim3A_128 : f32 to vector<640x2xf32>
      %swap3A_130 = arith.constant 0 : index
      %swap3A_131 = arith.constant 0 : index
      %swap3A_132 = vector.load %arg8[%swap3A_130, %swap3A_131] : memref<640x2xf32, #tpu.memory_space<vmem>>, vector<640x2xf32>
      tpu.vector_store %arg8[%swap3A_130, %swap3A_131], %broadcast_in_dim3A_129 {strides = array<i32>} : memref<640x2xf32, #tpu.memory_space<vmem>>, vector<640x2xf32>,
      %broadcast_in_dim3A_133 = arith.constant 0.000000e+00 : f32
      %broadcast_in_dim3A_134 = vector.broadcast %broadcast_in_dim3A_133 : f32 to vector<1x1xf32>
      %swap3A_135 = arith.constant 0 : index
      %swap3A_136 = arith.constant 0 : index
      %swap3A_137 = vector.load %arg6[%swap3A_135, %swap3A_136] : memref<1x1xf32, #tpu.memory_space<vmem>>, vector<1x1xf32>
      tpu.vector_store %arg6[%swap3A_135, %swap3A_136], %broadcast_in_dim3A_134 {strides = array<i32>} : memref<1x1xf32, #tpu.memory_space<vmem>>, vector<1x1xf32>,
      %broadcast_in_dim3A_138 = arith.constant 0.000000e+00 : f32
      %broadcast_in_dim3A_139 = vector.broadcast %broadcast_in_dim3A_138 : f32 to vector<1x1xf32>
      %swap3A_140 = arith.constant 0 : index
      %swap3A_141 = arith.constant 0 : index
      %swap3A_142 = vector.load %arg7[%swap3A_140, %swap3A_141] : memref<1x1xf32, #tpu.memory_space<vmem>>, vector<1x1xf32>
      tpu.vector_store %arg7[%swap3A_140, %swap3A_141], %broadcast_in_dim3A_139 {strides = array<i32>} : memref<1x1xf32, #tpu.memory_space<vmem>>, vector<1x1xf32>,
    } else {
    }
    %get3A = arith.constant 0 : index
    %get3A_2 = arith.constant 0 : index
    %get3A_3 = arith.constant 0 : index
    %get3A_4 = vector.load %arg1[%get3A, %get3A_2, %get3A_3] : memref<8x128x512xf32, #tpu.memory_space<vmem>>, vector<8x128x512xf32>
    %reshape3A = vector.shape_cast %get3A_4 : vector<8x128x512xf32> to vector<1024x512xf32>
    %get3A_5 = arith.constant 0 : index
    %get3A_6 = arith.constant 0 : index
    %get3A_7 = vector.load %arg2[%get3A_5, %get3A_6] : memref<640x512xf32, #tpu.memory_space<vmem>>, vector<640x512xf32>
    %dot_general3A = arith.constant dense<0.000000e+00> : vector<1024x640xf32>
    %dot_general3A_8 = tpu.matmul %reshape3A, %get3A_7, %dot_general3A {dimension_numbers = #tpu.dot_dimension_numbers<[1], [1], [0], [0], [0, 0, 1, 0], [], []>, transpose_lhs_hint = false} : vector<1024x512xf32>, vector<640x512xf32>, vector<1024x640xf32> -> vector<1024x640xf32>
    %get3A_9 = arith.constant 0 : index
    %get3A_10 = arith.constant 0 : index
    %get3A_11 = vector.load %arg3[%get3A_9, %get3A_10] : memref<1x640xf32, #tpu.memory_space<vmem>>, vector<1x640xf32>
    %add3A = vector.broadcast %get3A_11 : vector<1x640xf32> to vector<1024x640xf32>
    %add3A_12 = arith.addf %dot_general3A_8, %add3A : vector<1024x640xf32>
    %iota3A = tpu.iota {dimensions = array<i32: 1>} : vector<1024x640xi32>
    %lt3A = arith.constant 320 : i32
    %lt3A_13 = vector.broadcast %lt3A : i32 to vector<1024x640xi32>
    %lt3A_14 = arith.cmpi slt, %iota3A, %lt3A_13 : vector<1024x640xi32>
    %jit3A = arith.constant 0xFF800000 : f32
    %broadcast_in_dim3A = vector.broadcast %jit3A : f32 to vector<1024x640xf32>
    %select_n3A = arith.select %lt3A_14, %add3A_12, %broadcast_in_dim3A : vector<1024x640xi1>, vector<1024x640xf32>
    %jit3A_15 = arith.constant 0xFF800000 : f32
    %broadcast_in_dim3A_16 = vector.broadcast %jit3A_15 : f32 to vector<1024x640xf32>
    %select_n3A_17 = arith.select %lt3A_14, %broadcast_in_dim3A_16, %add3A_12 : vector<1024x640xi1>, vector<1024x640xf32>
    %reduce_max3A = arith.constant dense<0xFF800000> : vector<1024xf32>
    %reduce_max3A_18 = vector.multi_reduction <maximumf>, %select_n3A, %reduce_max3A [1] : vector<1024x640xf32> to vector<1024xf32>
    %broadcast_in_dim3A_19 = vector.shape_cast %reduce_max3A_18 : vector<1024xf32> to vector<1024x1xf32>
    %reduce_max3A_20 = arith.constant dense<0xFF800000> : vector<1024xf32>
    %reduce_max3A_21 = vector.multi_reduction <maximumf>, %select_n3A_17, %reduce_max3A_20 [1] : vector<1024x640xf32> to vector<1024xf32>
    %broadcast_in_dim3A_22 = vector.shape_cast %reduce_max3A_21 : vector<1024xf32> to vector<1024x1xf32>
    %argmax3A = tpu.reduce_index %select_n3A {axis = 1 : i32, kind = #tpu.reduction_kind<arg_max>} : vector<1024x640xf32> -> vector<1024xi32>
    %reshape3A_23 = vector.shape_cast %argmax3A : vector<1024xi32> to vector<1024x1xi32>
    %argmax3A_24 = tpu.reduce_index %select_n3A_17 {axis = 1 : i32, kind = #tpu.reduction_kind<arg_max>} : vector<1024x640xf32> -> vector<1024xi32>
    %reshape3A_25 = vector.shape_cast %argmax3A_24 : vector<1024xi32> to vector<1024x1xi32>
    %eq3A_26 = vector.broadcast %reshape3A_23 : vector<1024x1xi32> to vector<1024x640xi32>
    %eq3A_27 = arith.cmpi eq, %iota3A, %eq3A_26 : vector<1024x640xi32>
    %convert_element_type3A_28 = arith.extui %eq3A_27 : vector<1024x640xi1> to vector<1024x640xi32>
    %convert_element_type3A_29 = arith.sitofp %convert_element_type3A_28 : vector<1024x640xi32> to vector<1024x640xf32>
    %eq3A_30 = vector.broadcast %reshape3A_25 : vector<1024x1xi32> to vector<1024x640xi32>
    %eq3A_31 = arith.cmpi eq, %iota3A, %eq3A_30 : vector<1024x640xi32>
    %convert_element_type3A_32 = arith.extui %eq3A_31 : vector<1024x640xi1> to vector<1024x640xi32>
    %convert_element_type3A_33 = arith.sitofp %convert_element_type3A_32 : vector<1024x640xi32> to vector<1024x640xf32>
    %add3A_34 = arith.addf %convert_element_type3A_29, %convert_element_type3A_33 : vector<1024x640xf32>
    %reshape3A_35 = vector.shape_cast %add3A_34 : vector<1024x640xf32> to vector<8x128x640xf32>
    %swap3A = arith.constant 0 : index
    %swap3A_36 = arith.constant 0 : index
    %swap3A_37 = arith.constant 0 : index
    %swap3A_38 = vector.load %arg5[%swap3A, %swap3A_36, %swap3A_37] : memref<8x128x640xf32, #tpu.memory_space<vmem>>, vector<8x128x640xf32>
    tpu.vector_store %arg5[%swap3A, %swap3A_36, %swap3A_37], %reshape3A_35 {strides = array<i32>} : memref<8x128x640xf32, #tpu.memory_space<vmem>>, vector<8x128x640xf32>,
    %concatenate3A = tpu.concatenate %reshape3A_23, %reshape3A_25 in 1 : vector<1024x1xi32>, vector<1024x1xi32> -> vector<1024x2xi32>
    %reshape3A_39 = vector.shape_cast %concatenate3A : vector<1024x2xi32> to vector<8x128x2xi32>
    %swap3A_40 = arith.constant 0 : index
    %swap3A_41 = arith.constant 0 : index
    %swap3A_42 = arith.constant 0 : index
    %swap3A_43 = vector.load %arg4[%swap3A_40, %swap3A_41, %swap3A_42] : memref<8x128x2xi32, #tpu.memory_space<vmem>>, vector<8x128x2xi32>
    tpu.vector_store %arg4[%swap3A_40, %swap3A_41, %swap3A_42], %reshape3A_39 {strides = array<i32>} : memref<8x128x2xi32, #tpu.memory_space<vmem>>, vector<8x128x2xi32>,
    %reshape3A_44 = vector.shape_cast %add3A_34 : vector<1024x640xf32> to vector<8x128x640xf32>
    %reduce_sum3A = arith.constant dense<0.000000e+00> : vector<128x640xf32>
    %reduce_sum3A_45 = vector.multi_reduction <add>, %reshape3A_44, %reduce_sum3A [0] : vector<8x128x640xf32> to vector<128x640xf32>
    %mul3A = arith.constant 1.250000e-01 : f32
    %mul3A_46 = vector.broadcast %mul3A : f32 to vector<128x640xf32>
    %mul3A_47 = arith.mulf %reduce_sum3A_45, %mul3A_46 : vector<128x640xf32>
    %iota3A_48 = tpu.iota {dimensions = array<i32: 1>} : vector<128x640xi32>
    %add3A_49 = arith.constant 1.000000e-07 : f32
    %add3A_50 = vector.broadcast %add3A_49 : f32 to vector<128x640xf32>
    %add3A_51 = arith.addf %mul3A_47, %add3A_50 : vector<128x640xf32>
    %log3A = math.log %add3A_51 : vector<128x640xf32>
    %mul3A_52 = arith.mulf %mul3A_47, %log3A : vector<128x640xf32>
    %lt3A_53 = arith.constant 320 : i32
    %lt3A_54 = vector.broadcast %lt3A_53 : i32 to vector<128x640xi32>
    %lt3A_55 = arith.cmpi slt, %iota3A_48, %lt3A_54 : vector<128x640xi32>
    %jit3A_56 = arith.constant 0.000000e+00 : f32
    %broadcast_in_dim3A_57 = vector.broadcast %jit3A_56 : f32 to vector<128x640xf32>
    %select_n3A_58 = arith.select %lt3A_55, %mul3A_52, %broadcast_in_dim3A_57 : vector<128x640xi1>, vector<128x640xf32>
    %reduce_sum3A_59 = arith.constant dense<0.000000e+00> : vector<128xf32>
    %reduce_sum3A_60 = vector.multi_reduction <add>, %select_n3A_58, %reduce_sum3A_59 [1] : vector<128x640xf32> to vector<128xf32>
    %broadcast_in_dim3A_61 = vector.shape_cast %reduce_sum3A_60 : vector<128xf32> to vector<128x1xf32>
    %lt3A_62 = arith.constant 320 : i32
    %lt3A_63 = vector.broadcast %lt3A_62 : i32 to vector<128x640xi32>
    %lt3A_64 = arith.cmpi slt, %iota3A_48, %lt3A_63 : vector<128x640xi32>
    %jit3A_65 = arith.constant 0.000000e+00 : f32
    %broadcast_in_dim3A_66 = vector.broadcast %jit3A_65 : f32 to vector<128x640xf32>
    %select_n3A_67 = arith.select %lt3A_64, %broadcast_in_dim3A_66, %mul3A_52 : vector<128x640xi1>, vector<128x640xf32>
    %reduce_sum3A_68 = arith.constant dense<0.000000e+00> : vector<128xf32>
    %reduce_sum3A_69 = vector.multi_reduction <add>, %select_n3A_67, %reduce_sum3A_68 [1] : vector<128x640xf32> to vector<128xf32>
    %broadcast_in_dim3A_70 = vector.shape_cast %reduce_sum3A_69 : vector<128xf32> to vector<128x1xf32>
    %get3A_71 = arith.constant 0 : index
    %get3A_72 = arith.constant 0 : index
    %get3A_73 = vector.load %arg6[%get3A_71, %get3A_72] : memref<1x1xf32, #tpu.memory_space<vmem>>, vector<1x1xf32>
    %neg3A = arith.constant 0.000000e+00 : f32
    %neg3A_74 = vector.broadcast %neg3A : f32 to vector<128x1xf32>
    %neg3A_75 = arith.subf %neg3A_74, %broadcast_in_dim3A_61 : vector<128x1xf32>
    %exp3A = math.exp %neg3A_75 : vector<128x1xf32>
    %neg3A_76 = arith.constant 0.000000e+00 : f32
    %neg3A_77 = vector.broadcast %neg3A_76 : f32 to vector<128x1xf32>
    %neg3A_78 = arith.subf %neg3A_77, %broadcast_in_dim3A_70 : vector<128x1xf32>
    %exp3A_79 = math.exp %neg3A_78 : vector<128x1xf32>
    %add3A_80 = arith.addf %exp3A, %exp3A_79 : vector<128x1xf32>
    %reduce_sum3A_81 = vector.shape_cast %add3A_80 : vector<128x1xf32> to vector<1x128x1xf32>
    %reduce_sum3A_82 = arith.constant dense<0.000000e+00> : vector<1xf32>
    %reduce_sum3A_83 = vector.multi_reduction <add>, %reduce_sum3A_81, %reduce_sum3A_82 [1, 2] : vector<1x128x1xf32> to vector<1xf32>
    %reduce_sum3A_84 = vector.shape_cast %reduce_sum3A_83 : vector<1xf32> to vector<1x1x1xf32>
    %reduce_sum3A_85 = vector.extract %reduce_sum3A_84[0, 0, 0] : f32 from vector<1x1x1xf32>
    %reshape3A_86 = vector.broadcast %reduce_sum3A_85 : f32 to vector<1x1xf32>
    %add3A_87 = arith.addf %get3A_73, %reshape3A_86 : vector<1x1xf32>
    %swap3A_88 = arith.constant 0 : index
    %swap3A_89 = arith.constant 0 : index
    %swap3A_90 = vector.load %arg6[%swap3A_88, %swap3A_89] : memref<1x1xf32, #tpu.memory_space<vmem>>, vector<1x1xf32>
    tpu.vector_store %arg6[%swap3A_88, %swap3A_89], %add3A_87 {strides = array<i32>} : memref<1x1xf32, #tpu.memory_space<vmem>>, vector<1x1xf32>,
    %broadcast_in_dim3A_91 = vector.shape_cast %broadcast_in_dim3A_19 : vector<1024x1xf32> to vector<1024x1xf32>
    %broadcast_in_dim3A_92 = vector.broadcast %broadcast_in_dim3A_91 : vector<1024x1xf32> to vector<1024x640xf32>
    %broadcast_in_dim3A_93 = vector.shape_cast %broadcast_in_dim3A_22 : vector<1024x1xf32> to vector<1024x1xf32>
    %broadcast_in_dim3A_94 = vector.broadcast %broadcast_in_dim3A_93 : vector<1024x1xf32> to vector<1024x640xf32>
    %select_n3A_95 = arith.select %lt3A_14, %broadcast_in_dim3A_92, %broadcast_in_dim3A_94 : vector<1024x640xi1>, vector<1024x640xf32>
    %sub3A = arith.subf %add3A_12, %select_n3A_95 : vector<1024x640xf32>
    %exp3A_96 = math.exp %sub3A : vector<1024x640xf32>
    %iota3A_97 = tpu.iota {dimensions = array<i32: 0>} : vector<640x2xi32>
    %iota3A_98 = tpu.iota {dimensions = array<i32: 1>} : vector<640x2xi32>
    %lt3A_99 = arith.constant 320 : i32
    %lt3A_100 = vector.broadcast %lt3A_99 : i32 to vector<640x2xi32>
    %lt3A_101 = arith.cmpi slt, %iota3A_97, %lt3A_100 : vector<640x2xi32>
    %eq3A_102 = arith.constant 0 : i32
    %eq3A_103 = vector.broadcast %eq3A_102 : i32 to vector<640x2xi32>
    %eq3A_104 = arith.cmpi eq, %iota3A_98, %eq3A_103 : vector<640x2xi32>
    %eq3A_105 = arith.xori %lt3A_101, %eq3A_104 : vector<640x2xi1>
    %eq3A_106 = arith.constant dense<true> : vector<640x2xi1>
    %eq3A_107 = arith.xori %eq3A_105, %eq3A_106 : vector<640x2xi1>
    %convert_element_type3A_108 = arith.extui %eq3A_107 : vector<640x2xi1> to vector<640x2xi32>
    %convert_element_type3A_109 = arith.sitofp %convert_element_type3A_108 : vector<640x2xi32> to vector<640x2xf32>
    %dot_general3A_110 = arith.constant dense<0.000000e+00> : vector<1024x2xf32>
    %dot_general3A_111 = tpu.matmul %exp3A_96, %convert_element_type3A_109, %dot_general3A_110 {dimension_numbers = #tpu.dot_dimension_numbers<[1], [0], [0], [1], [0, 0, 1, 1], [], []>, transpose_lhs_hint = false} : vector<1024x640xf32>, vector<640x2xf32>, vector<1024x2xf32> -> vector<1024x2xf32>
    %div3A = arith.constant 1.000000e+00 : f32
    %div3A_112 = vector.broadcast %div3A : f32 to vector<1024x2xf32>
    %div3A_113 = arith.divf %div3A_112, %dot_general3A_111 : vector<1024x2xf32>
    %dot_general3A_114 = arith.constant dense<0.000000e+00> : vector<640x2xf32>
    %dot_general3A_115 = tpu.matmul %exp3A_96, %div3A_113, %dot_general3A_114 {dimension_numbers = #tpu.dot_dimension_numbers<[0], [0], [1], [1], [0, 1, 1, 1], [], []>, transpose_lhs_hint = false} : vector<1024x640xf32>, vector<1024x2xf32>, vector<640x2xf32> -> vector<640x2xf32>
    %get3A_116 = arith.constant 0 : index
    %get3A_117 = arith.constant 0 : index
    %get3A_118 = vector.load %arg8[%get3A_116, %get3A_117] : memref<640x2xf32, #tpu.memory_space<vmem>>, vector<640x2xf32>
    %add3A_119 = arith.addf %get3A_118, %dot_general3A_115 : vector<640x2xf32>
    %swap3A_120 = arith.constant 0 : index
    %swap3A_121 = arith.constant 0 : index
    %swap3A_122 = vector.load %arg8[%swap3A_120, %swap3A_121] : memref<640x2xf32, #tpu.memory_space<vmem>>, vector<640x2xf32>
    tpu.vector_store %arg8[%swap3A_120, %swap3A_121], %add3A_119 {strides = array<i32>} : memref<640x2xf32, #tpu.memory_space<vmem>>, vector<640x2xf32>,
    %eq3A_123 = arith.constant 1 : i32
    %eq3A_124 = arith.cmpi eq, %arg0, %eq3A_123 : i32
    %convert_element_type3A_125 = arith.extui %eq3A_124 : i1 to i32
    %cond3A_126 = arith.constant 0 : i32
    %cond3A_127 = arith.cmpi ne, %convert_element_type3A_125, %cond3A_126 : i32
    scf.if %cond3A_127 {
      %get3A_128 = arith.constant 0 : index
      %get3A_129 = arith.constant 0 : index
      %get3A_130 = vector.load %arg8[%get3A_128, %get3A_129] : memref<640x2xf32, #tpu.memory_space<vmem>>, vector<640x2xf32>
      %mul3A_131 = arith.constant 4.8828125E-4 : f32
      %mul3A_132 = vector.broadcast %mul3A_131 : f32 to vector<640x2xf32>
      %mul3A_133 = arith.mulf %get3A_130, %mul3A_132 : vector<640x2xf32>
      %add3A_134 = arith.constant 1.000000e-07 : f32
      %add3A_135 = vector.broadcast %add3A_134 : f32 to vector<640x2xf32>
      %add3A_136 = arith.addf %mul3A_133, %add3A_135 : vector<640x2xf32>
      %log3A_137 = math.log %add3A_136 : vector<640x2xf32>
      %mul3A_138 = arith.mulf %mul3A_133, %log3A_137 : vector<640x2xf32>
      %mul3A_139 = arith.mulf %mul3A_138, %convert_element_type3A_109 : vector<640x2xf32>
      %reduce_sum3A_140 = arith.constant dense<0.000000e+00> : vector<2xf32>
      %reduce_sum3A_141 = vector.multi_reduction <add>, %mul3A_139, %reduce_sum3A_140 [0] : vector<640x2xf32> to vector<2xf32>
      %broadcast_in_dim3A_142 = vector.shape_cast %reduce_sum3A_141 : vector<2xf32> to vector<1x2xf32>
      %neg3A_143 = arith.constant 0.000000e+00 : f32
      %neg3A_144 = vector.broadcast %neg3A_143 : f32 to vector<1x2xf32>
      %neg3A_145 = arith.subf %neg3A_144, %broadcast_in_dim3A_142 : vector<1x2xf32>
      %exp3A_146 = math.exp %neg3A_145 : vector<1x2xf32>
      %reduce_sum3A_147 = vector.shape_cast %exp3A_146 : vector<1x2xf32> to vector<1x1x2xf32>
      %reduce_sum3A_148 = arith.constant dense<0.000000e+00> : vector<1xf32>
      %reduce_sum3A_149 = vector.multi_reduction <add>, %reduce_sum3A_147, %reduce_sum3A_148 [1, 2] : vector<1x1x2xf32> to vector<1xf32>
      %reduce_sum3A_150 = vector.shape_cast %reduce_sum3A_149 : vector<1xf32> to vector<1x1x1xf32>
      %reduce_sum3A_151 = vector.extract %reduce_sum3A_150[0, 0, 0] : f32 from vector<1x1x1xf32>
      %reshape3A_152 = vector.broadcast %reduce_sum3A_151 : f32 to vector<1x1xf32>
      %swap3A_153 = arith.constant 0 : index
      %swap3A_154 = arith.constant 0 : index
      %swap3A_155 = vector.load %arg7[%swap3A_153, %swap3A_154] : memref<1x1xf32, #tpu.memory_space<vmem>>, vector<1x1xf32>
      tpu.vector_store %arg7[%swap3A_153, %swap3A_154], %reshape3A_152 {strides = array<i32>} : memref<1x1xf32, #tpu.memory_space<vmem>>, vector<1x1xf32>,
    } else {
    }
    return
  }
  func.func @transform_0(%arg0: i32) -> (i32, i32, i32) {
    %c0_i32 = arith.constant 0 : i32
    %c0_i32_0 = arith.constant 0 : i32
    %c0_i32_1 = arith.constant 0 : i32
    return %c0_i32, %arg0, %c0_i32_0 : i32, i32, i32
  }
  func.func @transform_1(%arg0: i32) -> (i32, i32) {
    %c0_i32 = arith.constant 0 : i32
    %c0_i32_0 = arith.constant 0 : i32
    %c0_i32_1 = arith.constant 0 : i32
    return %c0_i32, %c0_i32_0 : i32, i32
  }
  func.func @transform_2(%arg0: i32) -> (i32, i32) {
    %c0_i32 = arith.constant 0 : i32
    %c0_i32_0 = arith.constant 0 : i32
    %c0_i32_1 = arith.constant 0 : i32
    return %c0_i32, %c0_i32_0 : i32, i32
  }
  func.func @transform_3(%arg0: i32) -> (i32, i32, i32) {
    %c0_i32 = arith.constant 0 : i32
    %c0_i32_0 = arith.constant 0 : i32
    %c0_i32_1 = arith.constant 0 : i32
    return %c0_i32, %arg0, %c0_i32_0 : i32, i32, i32
  }
  func.func @transform_4(%arg0: i32) -> (i32, i32, i32) {
    %c0_i32 = arith.constant 0 : i32
    %c0_i32_0 = arith.constant 0 : i32
    %c0_i32_1 = arith.constant 0 : i32
    return %c0_i32, %arg0, %c0_i32_0 : i32, i32, i32
  }
  func.func @transform_5(%arg0: i32) -> (i32, i32) {
    %c0_i32 = arith.constant 0 : i32
    %c0_i32_0 = arith.constant 0 : i32
    %c0_i32_1 = arith.constant 0 : i32
    return %c0_i32, %c0_i32_0 : i32, i32
  }
  func.func @transform_6(%arg0: i32) -> (i32, i32) {
    %c0_i32 = arith.constant 0 : i32
    %c0_i32_0 = arith.constant 0 : i32
    %c0_i32_1 = arith.constant 0 : i32
    return %c0_i32, %c0_i32_0 : i32, i32
  }
}

</mosaic_0001>

<sc_bundles>
// kernel: _run.4.cloned.1.call-start
scs
__scs_entry_jumppad:
0x0: {  	(pc) =	sbr.rel $0x88, $3  }
0x1: {  	(tag) =	ssettag $0x0;
	lr =	simm.s32 $0x1  }
0x2: {  	[smem:$0x3F9D] =	sst lr;
	_ =	strace $0xD0000000  }
0x3: {  	_ = 	snop  }
0x4: {  	_ = 	snop  }
0x5: {  	_ = 	snop  }
0x6: {  	_ = 	snop  }
0x7: {  	_ = 	snop  }
__scs_overlays_trampoline_lowered:
0x8: {  	[smem:$0x3FAC] =	sst s0  }
0x9: {  	[smem:$0x3FAD] =	sst s1  }
0xa: {  	[smem:$0x3FAE] =	sst s2  }
0xb: {  	[smem:$0x3FAF] =	sst s3  }
0xc: {  	[smem:$0x3FB0] =	sst s4  }
0xd: {  	[smem:$0x3FB1] =	sst s5  }
0xe: {  	[smem:$0x3FB2] =	sst s6  }
0xf: {  	[smem:$0x3FB3] =	sst s7  }
0x10: {  	[smem:$0x3FB4] =	sst s8  }
0x11: {  	[smem:$0x3FB5] =	sst s9;
	s0 =	simm.s32 @!p0 $0x0  }
0x12: {  	s1 =	sld [smem:$0x3F9B];
	s0 =	simm.s32 @p0 $0x1  }
0x13: {  	[smem:$0x3FB6] =	sst s0;
	s0 =	simm.s32 @!p1 $0x0  }
0x14: {  	s2 =	sld [smem:$0x3F9A];
	s0 =	simm.s32 @p1 $0x1  }
0x15: {  	[smem:$0x3FB7] =	sst s0;
	s0 =	simm.s32 @!p2 $0x0  }
0x16: {  	s3 =	sld [smem:$0x3FDB];
	s0 =	simm.s32 @p2 $0x1  }
0x17: {  	s4 =	simm.s32 $0x1BF5;
	[smem:$0x3FB9] =	sst s0  }
0x18: {  	s0 =	sld [smem:$0x3F9C];
	_ =	swait.ge [sflag:s4], $0x0  }
0x19: {  	s7 =	sld [smem:$0x3F9D]  }
0x1a: {  	s8 =	sadd.s32 $0xFFFFE003, lr  }
0x1b: {  	s9 =	sadd.s32 $0xFFFFFEF7, lr;
	s5 =	simm.s32 $0xFFFFFFFF;
	p2 =	slt.u32 s8, $0xFFFFF086  }
0x1c: {  	p1 =	slt.u32 s9, $0xF7A;
	s5 =	simm.s32 @!p2 $0x0  }
0x1d: {  	s5 =	simm.s32 @p1 $0x1;
	p0 =	seq.s32 s7, s2  }
0x1e: {  	s7 =	smul.u32 @!p0 $0xF7A, s2;
	p2 =	seq.s32 @!p0 s5, $0x0  }
0x1f: {  	s9 =	smul.u32 $0xF7A, s1;
	s8 =	simm.s32 @!p0 $0x1BF5;
	p2 =	por !p2, p0  }
0x20: {  	[sflag:s8] =	ssyncset.s32 @!p0 $0xFFFFF086;
	s6 =	sadd.s32 @!p0 s3, s7;
	s7 =	simm.s32 @!p0 $0x108  }
0x21: {  	s3 =	sadd.s32 s3, s9;
	s6 =	sadd.s32 @!p0 $0x88, s6;
	s7 =	simm.s32 @p2 $0x1082  }
0x22: {  	[simem:s7], [sflag:s8] =	dma.local @!p0 [hbm:s6], $0xF7A  }
0x23: {  	s9 =	sor.u32 $0xD0000000, s2;
	s6 =	simm.s32 $0x108;
	_ =	swait.ge @!p0 [sflag:s8], $0x0  }
0x24: {  	s3 =	sadd.s32 $0x88, s3;
	s6 =	simm.s32 @!p1 $0x1082;
	[sflag:s4] =	ssyncset.s32 $0xFFFFF086  }
0x25: {  	[simem:s6], [sflag:s4] =	dma.local [hbm:s3], $0xF7A  }
0x26: {  	[smem:$0x3F9D] =	sst s1;
	(tag) =	ssettag s2;
	_ =	strace s9  }
0x27: {  	s1 =	sld [smem:$0x3FAD]  }
0x28: {  	s2 =	sld [smem:$0x3FAE]  }
0x29: {  	s4 =	sld [smem:$0x3FB0]  }
0x2a: {  	p0 =	seq.s32 s5, $0x0;
	s5 =	sld [smem:$0x3FB1]  }
0x2b: {  	s6 =	sld [smem:$0x3FB2]  }
0x2c: {  	s7 =	sld [smem:$0x3FB3]  }
0x2d: {  	s3 =	simm.s32 $0x108;
	s8 =	sld [smem:$0x3FB4]  }
0x2e: {  	s3 =	simm.s32 @!p0 $0x1082;
	s9 =	sld [smem:$0x3FB5]  }
0x2f: {  	lr =	sadd.s32 s0, s3;
	s0 =	sld [smem:$0x3FAC]  }
0x30: {  	s3 =	sld [smem:$0x3FAF]  }
0x31: {  	[smem:$0x3FB8] =	sst s10  }
0x32: {  	s10 =	sld [smem:$0x3FB6];
	_ =	sdelay $0x3  }
0x33: {  	p0 =	seq.s32 s10, $0x1;
	s10 =	sld [smem:$0x3FB8];
	_ =	sdelay $0x3  }
0x34: {  	[smem:$0x3FB8] =	sst s10  }
0x35: {  	s10 =	sld [smem:$0x3FB7];
	_ =	sdelay $0x3  }
0x36: {  	p1 =	seq.s32 s10, $0x1;
	s10 =	sld [smem:$0x3FB8];
	_ =	sdelay $0x3  }
0x37: {  	[smem:$0x3FB8] =	sst s10  }
0x38: {  	s10 =	sld [smem:$0x3FB9]  }
0x39: {  	_ = 	snop;
	(pc) =	sbr.ind lr, $3  }
0x3a: {  	_ = 	snop  }
0x3b: {  	_ = 	snop  }
0x3c: {  	p2 =	seq.s32 s10, $0x1;
	s10 =	sld [smem:$0x3FB8]  }
0x3d: {  	_ =	shalt  }
0x3e: {  	_ =	shalt  }
0x3f: {  	_ =	shalt  }
0x40: {  	_ =	shalt  }
0x41: {  	_ =	shalt  }
0x42: {  	_ =	shalt  }
0x43: {  	_ =	shalt  }
0x44: {  	_ =	shalt  }
0x45: {  	_ =	shalt  }
0x46: {  	_ =	shalt  }
0x47: {  	_ =	shalt  }
0x48: {  	_ =	shalt  }
0x49: {  	_ =	shalt  }
0x4a: {  	_ =	shalt  }
0x4b: {  	_ =	shalt  }
0x4c: {  	_ =	shalt  }
0x4d: {  	_ =	shalt  }
0x4e: {  	_ =	shalt  }
0x4f: {  	_ =	shalt  }
0x50: {  	_ =	shalt  }
0x51: {  	_ =	shalt  }
0x52: {  	_ =	shalt  }
0x53: {  	_ =	shalt  }
0x54: {  	_ =	shalt  }
0x55: {  	_ =	shalt  }
0x56: {  	_ =	shalt  }
0x57: {  	_ =	shalt  }
0x58: {  	_ =	shalt  }
0x59: {  	_ =	shalt  }
0x5a: {  	_ =	shalt  }
0x5b: {  	_ =	shalt  }
0x5c: {  	_ =	shalt  }
0x5d: {  	_ =	shalt  }
0x5e: {  	_ =	shalt  }
0x5f: {  	_ =	shalt  }
0x60: {  	_ =	shalt  }
0x61: {  	_ =	shalt  }
0x62: {  	_ =	shalt  }
0x63: {  	_ =	shalt  }
0x64: {  	_ =	shalt  }
0x65: {  	_ =	shalt  }
0x66: {  	_ =	shalt  }
0x67: {  	_ =	shalt  }
0x68: {  	_ =	shalt  }
0x69: {  	_ =	shalt  }
0x6a: {  	_ =	shalt  }
0x6b: {  	_ =	shalt  }
0x6c: {  	_ =	shalt  }
0x6d: {  	_ =	shalt  }
0x6e: {  	_ =	shalt  }
0x6f: {  	_ =	shalt  }
0x70: {  	_ =	shalt  }
0x71: {  	_ =	shalt  }
0x72: {  	_ =	shalt  }
0x73: {  	_ =	shalt  }
0x74: {  	_ =	shalt  }
0x75: {  	_ =	shalt  }
0x76: {  	_ =	shalt  }
0x77: {  	_ =	shalt  }
0x78: {  	_ =	shalt  }
0x79: {  	_ =	shalt  }
0x7a: {  	_ =	shalt  }
0x7b: {  	_ =	shalt  }
0x7c: {  	_ =	shalt  }
0x7d: {  	_ =	shalt  }
0x7e: {  	_ =	shalt  }
0x7f: {  	_ =	shalt  }
0x80: {  	_ =	shalt  }
0x81: {  	_ =	shalt  }
0x82: {  	_ =	shalt  }
0x83: {  	_ =	shalt  }
0x84: {  	_ =	shalt  }
0x85: {  	_ =	shalt  }
0x86: {  	_ =	shalt  }
0x87: {  	_ =	shalt  }
.Lfunc_end0:
.L_simem_size_0:
called_computation_lowered:
.L_overlay_start_0:
0x88: {  	s2 =	sld [smem:$0x3FD9]  }
0x89: {  	s3 =	sld [smem:$0x3FFE];
	_ =	sdelay $0x1  }
0x8a: {  	s1 =	srdreg.scid  }
0x8b: {  	s0 =	sand.u32 $0x1, s1  }
0x8c: {  	s14 =	sshll.u32 s0, $0xA;
	s2 =	sadd.s32 s3, s2  }
0x8d: {  	s2 =	sadd.s32 s2, s14  }
0x8e: {  	[smem:$0x3FC4] =	sst s2  }
0x8f: {  	_ = 	snop  }
0x90: {  	s2 =	sld [smem:$0x3FD0];
	_ =	sdelay $0x2  }
0x91: {  	s4 =	simm.s32 $0xA;
	s5 =	simm.s32 $0x10;
	s15 =	sld [smem:$0x3FC6]  }
0x92: {  	[smem:s5], [sflag:s4] =	dma.local [hbm:s2], $0x1  }
0x93: {  	_ =	swait.eq [sflag:s4], $0x1  }
0x94: {  	[sflag:s4] =	ssyncset.done $0x0  }
0x95: {  	[sflag:s4] =	ssyncadd.s32 $0xFFFFFFFF  }
0x96: {  	s16 =	sld [smem:$0x10];
	(tm) =	ssettm $0x1  }
0x97: {  	s17 =	sld [smem:$0x3FFB];
	_ =	sdelay $0x3  }
0x98: {  	_ =	strace s17  }
0x99: {  	s4 =	sld [smem:$0x3FFC];
	_ =	sdelay $0x3  }
0x9a: {  	_ =	strace s4  }
0x9b: {  	s4 =	sld [smem:$0x3FFD];
	_ =	sdelay $0x3  }
0x9c: {  	_ =	strace s4  }
0x9d: {  	_ =	strace $0x8FFFFFFF  }
0x9e: {  	s18 =	sld [smem:$0x3FDB];
	_ =	sdelay $0x1  }
0x9f: {  	s19 =	simm.s32 $_scs_section_size  }
0xa0: {  	s6 =	simm.s32 $_size__tile_overlayer_lowered;
	s7 =	simm.s32 $_tile_overlayer_lowered  }
0xa1: {  	s22 =	simm.s32 $0x1BFF;
	s21 =	sshll.u32 s7, $0x1;
	s4 =	sadd.s32 s19, s18  }
0xa2: {  	s8 =	simm.s32 $0x0;
	s20 =	sshll.u32 s6, $0x1;
	s6 =	sadd.s32 s21, s4  }
0xa3: {  	[timem:s8], [sflag:s22] =	dma.local [hbm:s6], s20  }
0xa4: {  	_ =	swait.ge [sflag:s22], s20  }
0xa5: {  	s5 =	ssub.s32 $0x0, s20;
	[sflag:s22] =	ssyncset.done $0x0  }
0xa6: {  	[sflag:s22] =	ssyncadd.s32 s5;
	_ =	sdelay $0x1  }
0xa7: {  	s23 =	simm.s32 $0x1B8B  }
0xa8: {  	_ =	swait.ge [sflag:s23], $0x1  }
0xa9: {  	[sflag:s23] =	ssyncset.done $0x0  }
0xaa: {  	s25 =	simm.s32 $0x1B8E;
	s24 =	sld [smem:$0x3FFE];
	[sflag:s23] =	ssyncadd.s32 $0xFFFFFFFF  }
0xab: {  	s26 =	simm.s32 $execute0_lowered;
	[smem:$0x3FD2] =	sst s25  }
0xac: {  	s6 =	sshll.u32 s26, $0x1;
	_ =	strace $0x80000046;
	[dreg:$0x1] =	wrdreg $0xFFFFFFFF  }
0xad: {  	s28 =	simm.s32 $_size_execute0_lowered;
	s4 =	sadd.s32 s4, s6;
	[dreg:$0x0] =	wrdreg $0x0  }
0xae: {  	s6 =	sshll.u32 s28, $0x1;
	[dreg:$0x2] =	wrdreg s4  }
0xaf: {  	[dreg:$0x3] =	wrdreg s6  }
0xb0: {  	[dreg:$0x4] =	wrdreg $0xC0  }
0xb1: {  	_ =	task [dreg:s8], $0x5FFFF  }
0xb2: {  	[dreg:$0x1] =	wrdreg $0xFFFFFFFF  }
0xb3: {  	[dreg:$0x0] =	wrdreg $0x60  }
0xb4: {  	[dreg:$0x2] =	wrdreg s15  }
0xb5: {  	[dreg:$0x3] =	wrdreg s16  }
0xb6: {  	[dreg:$0x4] =	wrdreg s24  }
0xb7: {  	[dreg:$0x5] =	wrdreg $0x9  }
0xb8: {  	_ =	task.clear_ibuf [dreg:s8], $0x6FFFF;
	_ =	strace $0x90000046  }
0xb9: {  	s29 =	simm.s32 $0x9;
	_ =	strace $0x80000048  }
0xba: {  	_ =	swait.ge [sflag:s29], $0x1  }
0xbb: {  	[sflag:s29] =	ssyncadd.s32 $0xFFFFFFFF  }
0xbc: {  	_ =	strace $0x90000048  }
0xbd: {  	_ =	sfence  }
0xbe: {  	s30 =	sld [smem:$0x0];
	_ =	sdelay $0x2  }
0xbf: {  	s31 =	sshll.u32 s1, $0xD;
	s1 =	sshrl.u32 s1, $0x2  }
0xc0: {  	s3 =	sand.u32 $0x4000, s31;
	s1 =	sadd.s32 s1, s30  }
0xc1: {  	s0 =	sor.u32 s3, s0;
	s1 =	sshll.u32 s1, $0x11  }
0xc2: {  	s0 =	sor.u32 s1, s0  }
0xc3: {  	s0 =	sadd.s32 $0x8F2B, s0  }
0xc4: {  	[sflag:s0] =	ssyncadd.remote.s32 $0x1  }
0xc5: {  	_ =	sfence.sel $0xFFFF  }
0xc6: {  	[dreg:$0x0] =	wrdreg $0xFFFFFFFF;
	(pc) =	sbr.abs _section_cstart, $3  }
0xc7: {  	[dreg:$0x1] =	wrdreg $0xFFFFFFFF  }
0xc8: {  	_ =	task.clear_ibuf [dreg:s8], $0x2FFFF;
	_ =	strace $0x9FFFFFFF  }
0xc9: {  	(tm) =	ssettm $0x7FFFFFFF  }
tec
execute0_lowered:
.L_overlay_start_1:
0x0: {  	(tag) =	ssettag $0x1  }
0x1: {  	s1 =	rddreg [dreg:$0x0];
	s2 =	srdreg.scid  }
0x2: {  	s4 =	rddreg [dreg:$0x1];
	s0 =	stileid.u32  }
0x3: {  	s8 =	rddreg [dreg:$0x2];
	s3 =	simm.s32 $0x0;
	s6 =	sand.u32 $0x1, s2  }
0x4: {  	s5 =	sshll.u32 s0, $0x8;
	s2 =	rddreg [dreg:$0x3];
	s7 =	sshll.u32 s6, $0x7  }
0x5: {  	[smem:$0x7FF] =	sst s3;
	s9 =	sor.u32 s7, s5  }
0x6: {  	_ =	strace $0x80000047;
	s10 =	ssub.s32 $0x2, s6;
	s5 =	sshrl.u32 s9, $0x3  }
0x7: {  	s6 =	simm.s32 $0x80;
	s5 =	sadd.s32 s4, s5;
	s4 =	simm.s32 $0x2  }
0x8: {  	[tilespmem:s3], [sflag:$0x2] =	stream.linear.gather [hbm4b:s5+s3], $0x80, $0x38;
	[tilespmem:$0x4080] =	vst v63  }
0x9: {  	s7 =	simm.s32 $0x1;
	s11 =	sshrl.u32 s10, $0x1;
	_ =	swait.ge [sflag:s4], $0x80  }
0xa: {  	s9 =	sshll.u32 s9, $0x4;
	s31 =	ssub.s32 s10, s11;
	[sflag:s4] =	ssyncset.done $0x0  }
0xb: {  	s8 =	sadd.s32 s9, s8;
	s9 =	smax.u32 s31, $0x1;
	[sflag:s4] =	ssyncadd.s32 $0xFFFFFF80  }
0xc: {  	[tilespmem:s6], [sflag:$0x1] =	stream.indirect.gather [hbm4b:s1+s6], $0x80, s3, s6, $0xb8;
	[tilespmem:$0x4080] =	vst v63  }
0xd: {  	p0 =	sne.s32 s9, $0x1;
	_ =	swait.ge [sflag:s7], $0x4000  }
.Ltmp0:
0xe: {  	[sflag:s7] =	ssyncset.done $0x0;
	(pc) =	sbr.rel @!p0 .LBB2_2-.Ltmp0, $4  }
0xf: {  	s8 =	sadd.s32 $0xA00, s8;
	[sflag:s7] =	ssyncadd.s32 $0xFFFFC000  }
0x10: {  	[hbm4b:s8+s3] =	stream.linear.scatter [tilespmem:s6], [sflag:$0x2], $0x4000, $0x38;
	[tilespmem:$0x4080] =	vst v63  }
0x11: {  	_ =	swait.ge [sflag:s4], $0x4000  }
0x12: {  	s9 =	sadd.s32 $0xFFFFFFFF, s9;
	[sflag:s4] =	ssyncset.done $0x0  }
.LBB2_1:
0x13: {  	p0 =	sne.s32 s9, $0x1;
	s9 =	sadd.s32 $0xFFFFFFFF, s9;
	[sflag:s4] =	ssyncadd.s32 $0xFFFFC000  }
0x14: {  	[tilespmem:s3], [sflag:$0x2] =	stream.linear.gather [hbm4b:s5+s3], $0x80, $0x38;
	[tilespmem:$0x4080] =	vst v63  }
0x15: {  	_ =	swait.ge [sflag:s4], $0x80  }
0x16: {  	[sflag:s4] =	ssyncset.done $0x0  }
0x17: {  	[sflag:s4] =	ssyncadd.s32 $0xFFFFFF80  }
0x18: {  	[tilespmem:s6], [sflag:$0x1] =	stream.indirect.gather [hbm4b:s1+s6], $0x80, s3, s6, $0xb8;
	[tilespmem:$0x4080] =	vst v63  }
0x19: {  	_ =	swait.ge [sflag:s7], $0x4000  }
.Ltmp1:
0x1a: {  	[sflag:s7] =	ssyncset.done $0x0;
	(pc) =	sbr.rel @p0 .LBB2_1-.Ltmp1, $4  }
0x1b: {  	[sflag:s7] =	ssyncadd.s32 $0xFFFFC000  }
0x1c: {  	[hbm4b:s8+s3] =	stream.linear.scatter [tilespmem:s6], [sflag:$0x2], $0x4000, $0x38;
	[tilespmem:$0x4080] =	vst v63  }
0x1d: {  	_ =	swait.ge [sflag:s4], $0x4000  }
0x1e: {  	[sflag:s4] =	ssyncset.done $0x0  }
.LBB2_2:
0x1f: {  	[sflag:s4] =	ssyncadd.s32 $0xFFFFC000  }
0x20: {  	_ =	sfence.sel $0x180000  }
0x21: {  	[bflag:$0x0] =	sbarrier.arrive $0xFFFF  }
0x22: {  	p0 =	sne.s32 s0, $0x0;
	_ =	strace $0x90000047  }
0x23: {  	s0 =	sadd.s32 @!p0 $0x100000, s2;
	[bflag:$0x2] =	sbarrier.arrive $0xFFFF  }
0x24: {  	[sflag:s0] =	ssyncadd.tile.s32 @!p0 $0x1;
	_ =	shalt  }
.Lfunc_end2:
_tile_overlayer_lowered:
.L_overlay_start_2:
0x25: {  	(tag) =	ssettag $0x2  }
0x26: {  	s0 =	rddreg [dreg:$0x0];
	s2 =	stileid.u32  }
0x27: {  	s1 =	rddreg [dreg:$0x1];
	p0 =	sne.s32 s2, $0x0  }
0x28: {  	s3 =	rddreg [dreg:$0x2];
	[bflag:$0x3] =	sbarrier.arrive $0xFFFF;
	s2 =	simm.s32 @!p0 $0x1C02  }
0x29: {  	[timem:s3], [sflag:s2] =	dma.local @!p0 [hbm:s0], s1  }
0x2a: {  	s0 =	simm.s32 @!p0 $0x2  }
0x2b: {  	_ =	swait.ge @!p0 [sflag:s0], s1  }
0x2c: {  	s1 =	ssub.s32 @!p0 $0x0, s1;
	[sflag:s0] =	ssyncset.done @!p0 $0x0  }
0x2d: {  	[sflag:s0] =	ssyncadd.s32 @!p0 s1  }
0x2e: {  	[bflag:$0x3] =	sbarrier.arrive $0xFFFF  }
0x2f: {  	_ =	shalt  }

</sc_bundles>
